<compile_context>
chip_gen: v7x
topology: tpu7x:2x2x1
jax: 0.10.2.dev20260603
libtpu: 0.0.44.dev20260713+nightly
codegen_flags: <defaults>
</compile_context>

<pallas_src>
import functools

import jax
import jax.numpy as jnp
from jax import lax
from jax.experimental import pallas as pl
from jax.experimental.pallas import tpu as pltpu
from jax.experimental.pallas import tpu_sc as plsc

VOCAB = 100000
EMBED = 64
OUT = 2
SEQ = 200
BATCH = 4096

NC = 2
NS = 16
L = 16
NW = NC * NS
BPW = BATCH // NW
G = BPW // L

TBLK = 32768
VH = 12504


def _project_body(tablet_ref, w_ref, o_ref):
    t = tablet_ref[...]
    w = w_ref[...]
    inv_s = jnp.float32(1.0 / SEQ)
    p = jnp.dot(w, t, preferred_element_type=jnp.float32) * inv_s
    u = lax.bitcast_convert_type(p.astype(jnp.bfloat16), jnp.uint16)
    word = u[0, :].astype(jnp.int32) | (u[1, :].astype(jnp.int32) << 16)
    o_ref[...] = word


def _project_table(tablet, W):
    nblk = pl.cdiv(VOCAB, TBLK)
    return pl.pallas_call(
        _project_body,
        grid=(nblk,),
        in_specs=[
            pl.BlockSpec((EMBED, TBLK), lambda i: (0, i)),
            pl.BlockSpec((OUT, EMBED), lambda i: (0, 0)),
        ],
        out_specs=pl.BlockSpec((TBLK,), lambda i: (i,)),
        out_shape=jax.ShapeDtypeStruct((VOCAB,), jnp.int32),
    )(tablet, W)


def _sc_body(ptable_hbm, text_hbm, b_hbm, out_hbm,
             table_v, text_v, out_v, b_s, table_sh, sem_t, sem_x, sem_l):
    sid = lax.axis_index("s")
    wid = sid * NC + lax.axis_index("c")
    base = wid * BPW

    cp_x = pltpu.make_async_copy(
        text_hbm.at[:, pl.ds(base, BPW)], text_v, sem_x)
    cp_x.start()
    pltpu.sync_copy(b_hbm, b_s.at[pl.ds(0, OUT)])

    cp_hi = pltpu.make_async_copy(
        ptable_hbm.at[pl.ds(VH, VOCAB - VH)],
        table_v.at[pl.ds(VH, VOCAB - VH)], sem_t)
    cp_hi.start()

    @pl.when(sid == 0)
    def _():
        pltpu.sync_copy(ptable_hbm.at[pl.ds(0, VH)], table_v.at[pl.ds(0, VH)])
        pltpu.sync_copy(table_v.at[pl.ds(0, VH)], table_sh)

    plsc.subcore_barrier()

    @pl.when(sid != 0)
    def _():
        cp_lo = pltpu.make_async_copy(
            table_sh, table_v.at[pl.ds(0, VH)], sem_l)
        cp_lo.start()
        cp_lo.wait()

    cp_x.wait()
    cp_hi.wait()

    bv = b_s[...]
    bias0 = bv[0]
    bias1 = bv[1]
    zero = jnp.zeros((L,), jnp.float32)

    def body(s, carry):
        new = []
        for g in range(G):
            a0, a1 = carry[2 * g], carry[2 * g + 1]
            idx = text_v[s, pl.ds(g * L, L)]
            w = plsc.load_gather(table_v, [idx])
            x0, x1 = plsc.unpack(plsc.bitcast(w, jnp.bfloat16),
                                 format=plsc.PackFormat.INTERLEAVED)
            new.extend((a0 + x0, a1 + x1))
        return tuple(new)

    accs = plsc.parallel_loop(
        0, SEQ, 1, unroll=2, carry=(zero,) * (2 * G))(body)
    for g in range(G):
        out_v[0, pl.ds(g * L, L)] = accs[2 * g] + bias0
        out_v[1, pl.ds(g * L, L)] = accs[2 * g + 1] + bias1

    pltpu.sync_copy(out_v, out_hbm.at[:, pl.ds(base, BPW)])


@functools.cache
def _sc_reduce():
    return pl.kernel(
        _sc_body,
        out_type=jax.ShapeDtypeStruct((OUT, BATCH), jnp.float32),
        mesh=plsc.VectorSubcoreMesh(core_axis_name="c", subcore_axis_name="s",
                                    num_cores=NC, num_subcores=NS),
        compiler_params=pltpu.CompilerParams(needs_layout_passes=False),
        scratch_types=[
            pltpu.VMEM((VOCAB,), jnp.int32),
            pltpu.VMEM((SEQ, BPW), jnp.int32),
            pltpu.VMEM((OUT, BPW), jnp.float32),
            pltpu.VMEM((L,), jnp.float32),
            pltpu.VMEM_SHARED((VH,), jnp.int32),
            pltpu.SemaphoreType.DMA,
            pltpu.SemaphoreType.DMA,
            pltpu.SemaphoreType.DMA,
        ],
    )


def kernel(text, table, W, b):
    ptable = _project_table(table.T, W)
    out_t = _sc_reduce()(ptable, text, b)
    return out_t.T

# --- scband reference (transcript-rebuilt; emitter-appended) ---
"""Pipeline reference for scband-word-avgmodel-30803505447291 (READ-ONLY COPY).

The authoritative reference and input builder live on the scoring server;
editing this copy changes nothing except your own understanding.
"""

import jax, jax.numpy as jnp
import numpy as np

VOCAB = 100000
EMBED = 64
OUT = 2
PAD_IDX = 0
SEQ = 200
BATCH = 4096


def setup_inputs(seed: int = 0) -> dict:
    key = jax.random.key(seed)
    k1, k2, k3 = jax.random.split(key, 3)
    text = jax.random.randint(k1, (SEQ, BATCH), 0, VOCAB, dtype=jnp.int64 if jax.config.jax_enable_x64 else jnp.int32)
    table = jax.random.normal(k2, (VOCAB, EMBED), dtype=jnp.float32)
    # padding_idx row is zero in torch Embedding
    table = table.at[PAD_IDX].set(0.0)
    W = jax.random.normal(k3, (OUT, EMBED), dtype=jnp.float32) * 0.05
    b = jnp.zeros((OUT,), dtype=jnp.float32)
    return {"text": text, "table": table, "W": W, "b": b}


def reference(text, table, W, b):
    # embedded = self.embed(text): gather rows -> [S, B, D]
    embedded = jnp.take(table, text, axis=0)
    # permute(1, 0, 2) -> [B, S, D]
    embedded = jnp.transpose(embedded, (1, 0, 2))
    # avg_pool2d over (S, 1) then squeeze -> mean over seq dim -> [B, D]
    pooled = jnp.mean(embedded, axis=1)
    # linear layer
    return pooled @ W.T + b

if __name__ == "__main__":
    import jax
    _d = setup_inputs()
    print(jax.jit(kernel)(*tuple(_d.values())))

</pallas_src>

<mosaic_0001>
#map = affine_map<(d0, d1) -> (0)>
#map1 = affine_map<(d0, d1) -> (0, 0)>
module attributes {stable_mosaic.version = 14 : i64} {
  func.func @_sc_body(%arg0: i32, %arg1: i32, %arg2: memref<100000xi32, #tpu.memory_space<hbm>>, %arg3: memref<200x4096xi32, #tpu.memory_space<hbm>>, %arg4: memref<2xf32, #tpu.memory_space<hbm>>, %arg5: memref<2x4096xf32, #tpu.memory_space<hbm>>, %arg6: memref<100000xi32, #tpu.memory_space<vmem>>, %arg7: memref<200x128xi32, #tpu.memory_space<vmem>>, %arg8: memref<2x128xf32, #tpu.memory_space<vmem>>, %arg9: memref<16xf32, #tpu.memory_space<vmem>>, %arg10: memref<12504xi32, #tpu.memory_space<vmem_shared>>, %arg11: memref<!tpu.dma_semaphore, #tpu.memory_space<semaphore_mem>>, %arg12: memref<!tpu.dma_semaphore, #tpu.memory_space<semaphore_mem>>, %arg13: memref<!tpu.dma_semaphore, #tpu.memory_space<semaphore_mem>>) attributes {dimension_semantics = [#tpu.dimension_semantics<core_parallel>, #tpu.dimension_semantics<subcore_parallel>], iteration_bounds = array<i64: 2, 16>, scalar_prefetch = 0 : i64, scratch_operands = 8 : i64, tpu.core_type = #tpu.core_type<sc_vector_subcore>, window_params = [{transform_indices = #map}, {transform_indices = #map1}, {transform_indices = #map}, {transform_indices = #map1}]} {
    %mul3A = arith.constant 2 : i32
    %mul3A_0 = arith.muli %arg1, %mul3A : i32
    %add3A = arith.addi %mul3A_0, %arg0 : i32
    %mul3A_1 = arith.constant 128 : i32
    %mul3A_2 = arith.muli %add3A, %mul3A_1 : i32
    %dma_start3A = arith.constant 0 : i32
    %dma_start3A_3 = tpu.memref_slice %arg3[%dma_start3A, %mul3A_2] : memref<200x4096xi32, #tpu.memory_space<hbm>> -> memref<200x128xi32, #tpu.memory_space<hbm>>
    %dma_start3A_4 = arith.constant 0 : i32
    %dma_start3A_5 = tpu.memref_slice %arg3[%dma_start3A_4, %mul3A_2] : memref<200x4096xi32, #tpu.memory_space<hbm>> -> memref<200x128xi32, #tpu.memory_space<hbm>>
    tpu.enqueue_dma source(%dma_start3A_5 : memref<200x128xi32, #tpu.memory_space<hbm>>) target(%arg7 : memref<200x128xi32, #tpu.memory_space<vmem>>) target_semaphore(%arg12 : memref<!tpu.dma_semaphore, #tpu.memory_space<semaphore_mem>>)
    "tpu.region"() ({
      %run_scoped3A = tpu.sem_alloc : memref<!tpu.dma_semaphore, #tpu.memory_space<semaphore_mem>>
      %dma_start3A_133 = arith.constant 0 : i32
      %dma_start3A_134 = tpu.memref_slice %arg9[%dma_start3A_133] : memref<16xf32, #tpu.memory_space<vmem>> -> memref<2xf32, #tpu.memory_space<vmem>>
      %dma_start3A_135 = arith.constant 0 : i32
      %dma_start3A_136 = tpu.memref_slice %arg9[%dma_start3A_135] : memref<16xf32, #tpu.memory_space<vmem>> -> memref<2xf32, #tpu.memory_space<vmem>>
      tpu.enqueue_dma source(%arg4 : memref<2xf32, #tpu.memory_space<hbm>>) target(%dma_start3A_136 : memref<2xf32, #tpu.memory_space<vmem>>) target_semaphore(%run_scoped3A : memref<!tpu.dma_semaphore, #tpu.memory_space<semaphore_mem>>)
      %dma_wait3A_137 = arith.constant 0 : i32
      %dma_wait3A_138 = tpu.memref_slice %arg9[%dma_wait3A_137] : memref<16xf32, #tpu.memory_space<vmem>> -> memref<2xf32, #tpu.memory_space<vmem>>
      %dma_wait3A_139 = arith.constant 0 : i32
      %dma_wait3A_140 = tpu.memref_slice %arg9[%dma_wait3A_139] : memref<16xf32, #tpu.memory_space<vmem>> -> memref<2xf32, #tpu.memory_space<vmem>>
      tpu.wait_dma2 semaphore(%run_scoped3A : memref<!tpu.dma_semaphore, #tpu.memory_space<semaphore_mem>>) src(%arg4 : memref<2xf32, #tpu.memory_space<hbm>>) dst(%dma_wait3A_140 : memref<2xf32, #tpu.memory_space<vmem>>)
      tpu.yield
    }) : () -> ()
    %dma_start3A_6 = arith.constant 12504 : i32
    %dma_start3A_7 = tpu.memref_slice %arg6[%dma_start3A_6] : memref<100000xi32, #tpu.memory_space<vmem>> -> memref<87496xi32, #tpu.memory_space<vmem>>
    %dma_start3A_8 = arith.constant 12504 : i32
    %dma_start3A_9 = tpu.memref_slice %arg2[%dma_start3A_8] : memref<100000xi32, #tpu.memory_space<hbm>> -> memref<87496xi32, #tpu.memory_space<hbm>>
    %dma_start3A_10 = arith.constant 12504 : i32
    %dma_start3A_11 = tpu.memref_slice %arg6[%dma_start3A_10] : memref<100000xi32, #tpu.memory_space<vmem>> -> memref<87496xi32, #tpu.memory_space<vmem>>
    %dma_start3A_12 = arith.constant 12504 : i32
    %dma_start3A_13 = tpu.memref_slice %arg2[%dma_start3A_12] : memref<100000xi32, #tpu.memory_space<hbm>> -> memref<87496xi32, #tpu.memory_space<hbm>>
    tpu.enqueue_dma source(%dma_start3A_13 : memref<87496xi32, #tpu.memory_space<hbm>>) target(%dma_start3A_11 : memref<87496xi32, #tpu.memory_space<vmem>>) target_semaphore(%arg11 : memref<!tpu.dma_semaphore, #tpu.memory_space<semaphore_mem>>)
    %eq3A = arith.constant 0 : i32
    %eq3A_14 = arith.cmpi eq, %arg1, %eq3A : i32
    %convert_element_type3A = arith.extui %eq3A_14 : i1 to i32
    %cond3A = arith.constant 0 : i32
    %cond3A_15 = arith.cmpi ne, %convert_element_type3A, %cond3A : i32
    scf.if %cond3A_15 {
      "tpu.region"() ({
        %run_scoped3A = tpu.sem_alloc : memref<!tpu.dma_semaphore, #tpu.memory_space<semaphore_mem>>
        %dma_start3A_133 = arith.constant 0 : i32
        %dma_start3A_134 = tpu.memref_slice %arg6[%dma_start3A_133] : memref<100000xi32, #tpu.memory_space<vmem>> -> memref<12504xi32, #tpu.memory_space<vmem>>
        %dma_start3A_135 = arith.constant 0 : i32
        %dma_start3A_136 = tpu.memref_slice %arg2[%dma_start3A_135] : memref<100000xi32, #tpu.memory_space<hbm>> -> memref<12504xi32, #tpu.memory_space<hbm>>
        %dma_start3A_137 = arith.constant 0 : i32
        %dma_start3A_138 = tpu.memref_slice %arg6[%dma_start3A_137] : memref<100000xi32, #tpu.memory_space<vmem>> -> memref<12504xi32, #tpu.memory_space<vmem>>
        %dma_start3A_139 = arith.constant 0 : i32
        %dma_start3A_140 = tpu.memref_slice %arg2[%dma_start3A_139] : memref<100000xi32, #tpu.memory_space<hbm>> -> memref<12504xi32, #tpu.memory_space<hbm>>
        tpu.enqueue_dma source(%dma_start3A_140 : memref<12504xi32, #tpu.memory_space<hbm>>) target(%dma_start3A_138 : memref<12504xi32, #tpu.memory_space<vmem>>) target_semaphore(%run_scoped3A : memref<!tpu.dma_semaphore, #tpu.memory_space<semaphore_mem>>)
        %dma_wait3A_141 = arith.constant 0 : i32
        %dma_wait3A_142 = tpu.memref_slice %arg6[%dma_wait3A_141] : memref<100000xi32, #tpu.memory_space<vmem>> -> memref<12504xi32, #tpu.memory_space<vmem>>
        %dma_wait3A_143 = arith.constant 0 : i32
        %dma_wait3A_144 = tpu.memref_slice %arg2[%dma_wait3A_143] : memref<100000xi32, #tpu.memory_space<hbm>> -> memref<12504xi32, #tpu.memory_space<hbm>>
        %dma_wait3A_145 = arith.constant 0 : i32
        %dma_wait3A_146 = tpu.memref_slice %arg6[%dma_wait3A_145] : memref<100000xi32, #tpu.memory_space<vmem>> -> memref<12504xi32, #tpu.memory_space<vmem>>
        %dma_wait3A_147 = arith.constant 0 : i32
        %dma_wait3A_148 = tpu.memref_slice %arg2[%dma_wait3A_147] : memref<100000xi32, #tpu.memory_space<hbm>> -> memref<12504xi32, #tpu.memory_space<hbm>>
        tpu.wait_dma2 semaphore(%run_scoped3A : memref<!tpu.dma_semaphore, #tpu.memory_space<semaphore_mem>>) src(%dma_wait3A_148 : memref<12504xi32, #tpu.memory_space<hbm>>) dst(%dma_wait3A_146 : memref<12504xi32, #tpu.memory_space<vmem>>)
        tpu.yield
      }) : () -> ()
      "tpu.region"() ({
        %run_scoped3A = tpu.sem_alloc : memref<!tpu.dma_semaphore, #tpu.memory_space<semaphore_mem>>
        %dma_start3A_133 = arith.constant 0 : i32
        %dma_start3A_134 = tpu.memref_slice %arg6[%dma_start3A_133] : memref<100000xi32, #tpu.memory_space<vmem>> -> memref<12504xi32, #tpu.memory_space<vmem>>
        %dma_start3A_135 = arith.constant 0 : i32
        %dma_start3A_136 = tpu.memref_slice %arg6[%dma_start3A_135] : memref<100000xi32, #tpu.memory_space<vmem>> -> memref<12504xi32, #tpu.memory_space<vmem>>
        tpu.enqueue_dma source(%dma_start3A_136 : memref<12504xi32, #tpu.memory_space<vmem>>) target(%arg10 : memref<12504xi32, #tpu.memory_space<vmem_shared>>) target_semaphore(%run_scoped3A : memref<!tpu.dma_semaphore, #tpu.memory_space<semaphore_mem>>)
        %dma_wait3A_137 = arith.constant 0 : i32
        %dma_wait3A_138 = tpu.memref_slice %arg6[%dma_wait3A_137] : memref<100000xi32, #tpu.memory_space<vmem>> -> memref<12504xi32, #tpu.memory_space<vmem>>
        %dma_wait3A_139 = arith.constant 0 : i32
        %dma_wait3A_140 = tpu.memref_slice %arg6[%dma_wait3A_139] : memref<100000xi32, #tpu.memory_space<vmem>> -> memref<12504xi32, #tpu.memory_space<vmem>>
        tpu.wait_dma2 semaphore(%run_scoped3A : memref<!tpu.dma_semaphore, #tpu.memory_space<semaphore_mem>>) src(%dma_wait3A_140 : memref<12504xi32, #tpu.memory_space<vmem>>) dst(%arg10 : memref<12504xi32, #tpu.memory_space<vmem_shared>>)
        tpu.yield
      }) : () -> ()
    } else {
    }
    %barrier3A = arith.constant 0 : index
    tpu.barrier barrier_id(%barrier3A)
    %ne3A = arith.constant 0 : i32
    %ne3A_16 = arith.cmpi ne, %arg1, %ne3A : i32
    %convert_element_type3A_17 = arith.extui %ne3A_16 : i1 to i32
    %cond3A_18 = arith.constant 0 : i32
    %cond3A_19 = arith.cmpi ne, %convert_element_type3A_17, %cond3A_18 : i32
    scf.if %cond3A_19 {
      %dma_start3A_133 = arith.constant 0 : i32
      %dma_start3A_134 = tpu.memref_slice %arg6[%dma_start3A_133] : memref<100000xi32, #tpu.memory_space<vmem>> -> memref<12504xi32, #tpu.memory_space<vmem>>
      %dma_start3A_135 = arith.constant 0 : i32
      %dma_start3A_136 = tpu.memref_slice %arg6[%dma_start3A_135] : memref<100000xi32, #tpu.memory_space<vmem>> -> memref<12504xi32, #tpu.memory_space<vmem>>
      tpu.enqueue_dma source(%arg10 : memref<12504xi32, #tpu.memory_space<vmem_shared>>) target(%dma_start3A_136 : memref<12504xi32, #tpu.memory_space<vmem>>) target_semaphore(%arg13 : memref<!tpu.dma_semaphore, #tpu.memory_space<semaphore_mem>>)
      %dma_wait3A_137 = arith.constant 0 : i32
      %dma_wait3A_138 = tpu.memref_slice %arg6[%dma_wait3A_137] : memref<100000xi32, #tpu.memory_space<vmem>> -> memref<12504xi32, #tpu.memory_space<vmem>>
      %dma_wait3A_139 = arith.constant 0 : i32
      %dma_wait3A_140 = tpu.memref_slice %arg6[%dma_wait3A_139] : memref<100000xi32, #tpu.memory_space<vmem>> -> memref<12504xi32, #tpu.memory_space<vmem>>
      tpu.wait_dma2 semaphore(%arg13 : memref<!tpu.dma_semaphore, #tpu.memory_space<semaphore_mem>>) src(%arg10 : memref<12504xi32, #tpu.memory_space<vmem_shared>>) dst(%dma_wait3A_140 : memref<12504xi32, #tpu.memory_space<vmem>>)
    } else {
    }
    %dma_wait3A = arith.constant 0 : i32
    %dma_wait3A_20 = tpu.memref_slice %arg3[%dma_wait3A, %mul3A_2] : memref<200x4096xi32, #tpu.memory_space<hbm>> -> memref<200x128xi32, #tpu.memory_space<hbm>>
    %dma_wait3A_21 = arith.constant 0 : i32
    %dma_wait3A_22 = tpu.memref_slice %arg3[%dma_wait3A_21, %mul3A_2] : memref<200x4096xi32, #tpu.memory_space<hbm>> -> memref<200x128xi32, #tpu.memory_space<hbm>>
    tpu.wait_dma2 semaphore(%arg12 : memref<!tpu.dma_semaphore, #tpu.memory_space<semaphore_mem>>) src(%dma_wait3A_22 : memref<200x128xi32, #tpu.memory_space<hbm>>) dst(%arg7 : memref<200x128xi32, #tpu.memory_space<vmem>>)
    %dma_wait3A_23 = arith.constant 12504 : i32
    %dma_wait3A_24 = tpu.memref_slice %arg6[%dma_wait3A_23] : memref<100000xi32, #tpu.memory_space<vmem>> -> memref<87496xi32, #tpu.memory_space<vmem>>
    %dma_wait3A_25 = arith.constant 12504 : i32
    %dma_wait3A_26 = tpu.memref_slice %arg2[%dma_wait3A_25] : memref<100000xi32, #tpu.memory_space<hbm>> -> memref<87496xi32, #tpu.memory_space<hbm>>
    %dma_wait3A_27 = arith.constant 12504 : i32
    %dma_wait3A_28 = tpu.memref_slice %arg6[%dma_wait3A_27] : memref<100000xi32, #tpu.memory_space<vmem>> -> memref<87496xi32, #tpu.memory_space<vmem>>
    %dma_wait3A_29 = arith.constant 12504 : i32
    %dma_wait3A_30 = tpu.memref_slice %arg2[%dma_wait3A_29] : memref<100000xi32, #tpu.memory_space<hbm>> -> memref<87496xi32, #tpu.memory_space<hbm>>
    tpu.wait_dma2 semaphore(%arg11 : memref<!tpu.dma_semaphore, #tpu.memory_space<semaphore_mem>>) src(%dma_wait3A_30 : memref<87496xi32, #tpu.memory_space<hbm>>) dst(%dma_wait3A_28 : memref<87496xi32, #tpu.memory_space<vmem>>)
    %get3A = arith.constant 0 : index
    %get3A_31 = tpu.vector_load %arg9[%get3A] {strides = array<i32>} : memref<16xf32, #tpu.memory_space<vmem>>, vector<16xf32>,
    %slice3A = vector.extract_strided_slice %get3A_31 {offsets = [0], sizes = [1], strides = [1]} : vector<16xf32> to vector<1xf32>
    %squeeze3A = vector.extract %slice3A[0] : f32 from vector<1xf32>
    %slice3A_32 = vector.extract_strided_slice %get3A_31 {offsets = [1], sizes = [1], strides = [1]} : vector<16xf32> to vector<1xf32>
    %squeeze3A_33 = vector.extract %slice3A_32[0] : f32 from vector<1xf32>
    %broadcast_in_dim3A = arith.constant 0.000000e+00 : f32
    %broadcast_in_dim3A_34 = vector.broadcast %broadcast_in_dim3A : f32 to vector<16xf32>
    %parallel_loop3A = arith.constant 0 : i32
    %parallel_loop3A_35 = arith.constant 200 : i32
    %parallel_loop3A_36 = arith.constant 1 : i32
    %parallel_loop3A_37:16 = scf.for %parallel_loop3A_133 = %parallel_loop3A to %parallel_loop3A_35 step %parallel_loop3A_36 iter_args(%parallel_loop3A_134 = %broadcast_in_dim3A_34, %parallel_loop3A_135 = %broadcast_in_dim3A_34, %parallel_loop3A_136 = %broadcast_in_dim3A_34, %parallel_loop3A_137 = %broadcast_in_dim3A_34, %parallel_loop3A_138 = %broadcast_in_dim3A_34, %parallel_loop3A_139 = %broadcast_in_dim3A_34, %parallel_loop3A_140 = %broadcast_in_dim3A_34, %parallel_loop3A_141 = %broadcast_in_dim3A_34, %parallel_loop3A_142 = %broadcast_in_dim3A_34, %parallel_loop3A_143 = %broadcast_in_dim3A_34, %parallel_loop3A_144 = %broadcast_in_dim3A_34, %parallel_loop3A_145 = %broadcast_in_dim3A_34, %parallel_loop3A_146 = %broadcast_in_dim3A_34, %parallel_loop3A_147 = %broadcast_in_dim3A_34, %parallel_loop3A_148 = %broadcast_in_dim3A_34, %parallel_loop3A_149 = %broadcast_in_dim3A_34) -> (vector<16xf32>, vector<16xf32>, vector<16xf32>, vector<16xf32>, vector<16xf32>, vector<16xf32>, vector<16xf32>, vector<16xf32>, vector<16xf32>, vector<16xf32>, vector<16xf32>, vector<16xf32>, vector<16xf32>, vector<16xf32>, vector<16xf32>, vector<16xf32>)  : i32 {
      %parallel_loop3A_150 = arith.index_cast %parallel_loop3A_133 : i32 to index
      %parallel_loop3A_151 = arith.constant 0 : index
      %parallel_loop3A_152 = tpu.vector_load %arg7[%parallel_loop3A_150, %parallel_loop3A_151] {strides = array<i32>} : memref<200x128xi32, #tpu.memory_space<vmem>>, vector<16xi32>,
      %parallel_loop3A_153 = tpu.vector_load_idx %arg6[%parallel_loop3A_152] : memref<100000xi32, #tpu.memory_space<vmem>>[vector<16xi32>], vector<16xi32>,
      %parallel_loop3A_154 = vector.bitcast %parallel_loop3A_153 : vector<16xi32> to vector<32xbf16>
      %parallel_loop3A_155 = tpu.unpack_subelements %parallel_loop3A_154, 0 {pack_format = #tpu.pack_format<interleaved>} : vector<32xbf16> -> vector<16xf32>
      %parallel_loop3A_156 = tpu.unpack_subelements %parallel_loop3A_154, 1 {pack_format = #tpu.pack_format<interleaved>} : vector<32xbf16> -> vector<16xf32>
      %parallel_loop3A_157 = arith.addf %parallel_loop3A_134, %parallel_loop3A_155 : vector<16xf32>
      %parallel_loop3A_158 = arith.addf %parallel_loop3A_135, %parallel_loop3A_156 : vector<16xf32>
      %parallel_loop3A_159 = arith.index_cast %parallel_loop3A_133 : i32 to index
      %parallel_loop3A_160 = arith.constant 16 : index
      %parallel_loop3A_161 = tpu.vector_load %arg7[%parallel_loop3A_159, %parallel_loop3A_160] {strides = array<i32>} : memref<200x128xi32, #tpu.memory_space<vmem>>, vector<16xi32>,
      %parallel_loop3A_162 = tpu.vector_load_idx %arg6[%parallel_loop3A_161] : memref<100000xi32, #tpu.memory_space<vmem>>[vector<16xi32>], vector<16xi32>,
      %parallel_loop3A_163 = vector.bitcast %parallel_loop3A_162 : vector<16xi32> to vector<32xbf16>
      %parallel_loop3A_164 = tpu.unpack_subelements %parallel_loop3A_163, 0 {pack_format = #tpu.pack_format<interleaved>} : vector<32xbf16> -> vector<16xf32>
      %parallel_loop3A_165 = tpu.unpack_subelements %parallel_loop3A_163, 1 {pack_format = #tpu.pack_format<interleaved>} : vector<32xbf16> -> vector<16xf32>
      %parallel_loop3A_166 = arith.addf %parallel_loop3A_136, %parallel_loop3A_164 : vector<16xf32>
      %parallel_loop3A_167 = arith.addf %parallel_loop3A_137, %parallel_loop3A_165 : vector<16xf32>
      %parallel_loop3A_168 = arith.index_cast %parallel_loop3A_133 : i32 to index
      %parallel_loop3A_169 = arith.constant 32 : index
      %parallel_loop3A_170 = tpu.vector_load %arg7[%parallel_loop3A_168, %parallel_loop3A_169] {strides = array<i32>} : memref<200x128xi32, #tpu.memory_space<vmem>>, vector<16xi32>,
      %parallel_loop3A_171 = tpu.vector_load_idx %arg6[%parallel_loop3A_170] : memref<100000xi32, #tpu.memory_space<vmem>>[vector<16xi32>], vector<16xi32>,
      %parallel_loop3A_172 = vector.bitcast %parallel_loop3A_171 : vector<16xi32> to vector<32xbf16>
      %parallel_loop3A_173 = tpu.unpack_subelements %parallel_loop3A_172, 0 {pack_format = #tpu.pack_format<interleaved>} : vector<32xbf16> -> vector<16xf32>
      %parallel_loop3A_174 = tpu.unpack_subelements %parallel_loop3A_172, 1 {pack_format = #tpu.pack_format<interleaved>} : vector<32xbf16> -> vector<16xf32>
      %parallel_loop3A_175 = arith.addf %parallel_loop3A_138, %parallel_loop3A_173 : vector<16xf32>
      %parallel_loop3A_176 = arith.addf %parallel_loop3A_139, %parallel_loop3A_174 : vector<16xf32>
      %parallel_loop3A_177 = arith.index_cast %parallel_loop3A_133 : i32 to index
      %parallel_loop3A_178 = arith.constant 48 : index
      %parallel_loop3A_179 = tpu.vector_load %arg7[%parallel_loop3A_177, %parallel_loop3A_178] {strides = array<i32>} : memref<200x128xi32, #tpu.memory_space<vmem>>, vector<16xi32>,
      %parallel_loop3A_180 = tpu.vector_load_idx %arg6[%parallel_loop3A_179] : memref<100000xi32, #tpu.memory_space<vmem>>[vector<16xi32>], vector<16xi32>,
      %parallel_loop3A_181 = vector.bitcast %parallel_loop3A_180 : vector<16xi32> to vector<32xbf16>
      %parallel_loop3A_182 = tpu.unpack_subelements %parallel_loop3A_181, 0 {pack_format = #tpu.pack_format<interleaved>} : vector<32xbf16> -> vector<16xf32>
      %parallel_loop3A_183 = tpu.unpack_subelements %parallel_loop3A_181, 1 {pack_format = #tpu.pack_format<interleaved>} : vector<32xbf16> -> vector<16xf32>
      %parallel_loop3A_184 = arith.addf %parallel_loop3A_140, %parallel_loop3A_182 : vector<16xf32>
      %parallel_loop3A_185 = arith.addf %parallel_loop3A_141, %parallel_loop3A_183 : vector<16xf32>
      %parallel_loop3A_186 = arith.index_cast %parallel_loop3A_133 : i32 to index
      %parallel_loop3A_187 = arith.constant 64 : index
      %parallel_loop3A_188 = tpu.vector_load %arg7[%parallel_loop3A_186, %parallel_loop3A_187] {strides = array<i32>} : memref<200x128xi32, #tpu.memory_space<vmem>>, vector<16xi32>,
      %parallel_loop3A_189 = tpu.vector_load_idx %arg6[%parallel_loop3A_188] : memref<100000xi32, #tpu.memory_space<vmem>>[vector<16xi32>], vector<16xi32>,
      %parallel_loop3A_190 = vector.bitcast %parallel_loop3A_189 : vector<16xi32> to vector<32xbf16>
      %parallel_loop3A_191 = tpu.unpack_subelements %parallel_loop3A_190, 0 {pack_format = #tpu.pack_format<interleaved>} : vector<32xbf16> -> vector<16xf32>
      %parallel_loop3A_192 = tpu.unpack_subelements %parallel_loop3A_190, 1 {pack_format = #tpu.pack_format<interleaved>} : vector<32xbf16> -> vector<16xf32>
      %parallel_loop3A_193 = arith.addf %parallel_loop3A_142, %parallel_loop3A_191 : vector<16xf32>
      %parallel_loop3A_194 = arith.addf %parallel_loop3A_143, %parallel_loop3A_192 : vector<16xf32>
      %parallel_loop3A_195 = arith.index_cast %parallel_loop3A_133 : i32 to index
      %parallel_loop3A_196 = arith.constant 80 : index
      %parallel_loop3A_197 = tpu.vector_load %arg7[%parallel_loop3A_195, %parallel_loop3A_196] {strides = array<i32>} : memref<200x128xi32, #tpu.memory_space<vmem>>, vector<16xi32>,
      %parallel_loop3A_198 = tpu.vector_load_idx %arg6[%parallel_loop3A_197] : memref<100000xi32, #tpu.memory_space<vmem>>[vector<16xi32>], vector<16xi32>,
      %parallel_loop3A_199 = vector.bitcast %parallel_loop3A_198 : vector<16xi32> to vector<32xbf16>
      %parallel_loop3A_200 = tpu.unpack_subelements %parallel_loop3A_199, 0 {pack_format = #tpu.pack_format<interleaved>} : vector<32xbf16> -> vector<16xf32>
      %parallel_loop3A_201 = tpu.unpack_subelements %parallel_loop3A_199, 1 {pack_format = #tpu.pack_format<interleaved>} : vector<32xbf16> -> vector<16xf32>
      %parallel_loop3A_202 = arith.addf %parallel_loop3A_144, %parallel_loop3A_200 : vector<16xf32>
      %parallel_loop3A_203 = arith.addf %parallel_loop3A_145, %parallel_loop3A_201 : vector<16xf32>
      %parallel_loop3A_204 = arith.index_cast %parallel_loop3A_133 : i32 to index
      %parallel_loop3A_205 = arith.constant 96 : index
      %parallel_loop3A_206 = tpu.vector_load %arg7[%parallel_loop3A_204, %parallel_loop3A_205] {strides = array<i32>} : memref<200x128xi32, #tpu.memory_space<vmem>>, vector<16xi32>,
      %parallel_loop3A_207 = tpu.vector_load_idx %arg6[%parallel_loop3A_206] : memref<100000xi32, #tpu.memory_space<vmem>>[vector<16xi32>], vector<16xi32>,
      %parallel_loop3A_208 = vector.bitcast %parallel_loop3A_207 : vector<16xi32> to vector<32xbf16>
      %parallel_loop3A_209 = tpu.unpack_subelements %parallel_loop3A_208, 0 {pack_format = #tpu.pack_format<interleaved>} : vector<32xbf16> -> vector<16xf32>
      %parallel_loop3A_210 = tpu.unpack_subelements %parallel_loop3A_208, 1 {pack_format = #tpu.pack_format<interleaved>} : vector<32xbf16> -> vector<16xf32>
      %parallel_loop3A_211 = arith.addf %parallel_loop3A_146, %parallel_loop3A_209 : vector<16xf32>
      %parallel_loop3A_212 = arith.addf %parallel_loop3A_147, %parallel_loop3A_210 : vector<16xf32>
      %parallel_loop3A_213 = arith.index_cast %parallel_loop3A_133 : i32 to index
      %parallel_loop3A_214 = arith.constant 112 : index
      %parallel_loop3A_215 = tpu.vector_load %arg7[%parallel_loop3A_213, %parallel_loop3A_214] {strides = array<i32>} : memref<200x128xi32, #tpu.memory_space<vmem>>, vector<16xi32>,
      %parallel_loop3A_216 = tpu.vector_load_idx %arg6[%parallel_loop3A_215] : memref<100000xi32, #tpu.memory_space<vmem>>[vector<16xi32>], vector<16xi32>,
      %parallel_loop3A_217 = vector.bitcast %parallel_loop3A_216 : vector<16xi32> to vector<32xbf16>
      %parallel_loop3A_218 = tpu.unpack_subelements %parallel_loop3A_217, 0 {pack_format = #tpu.pack_format<interleaved>} : vector<32xbf16> -> vector<16xf32>
      %parallel_loop3A_219 = tpu.unpack_subelements %parallel_loop3A_217, 1 {pack_format = #tpu.pack_format<interleaved>} : vector<32xbf16> -> vector<16xf32>
      %parallel_loop3A_220 = arith.addf %parallel_loop3A_148, %parallel_loop3A_218 : vector<16xf32>
      %parallel_loop3A_221 = arith.addf %parallel_loop3A_149, %parallel_loop3A_219 : vector<16xf32>
      scf.yield %parallel_loop3A_157, %parallel_loop3A_158, %parallel_loop3A_166, %parallel_loop3A_167, %parallel_loop3A_175, %parallel_loop3A_176, %parallel_loop3A_184, %parallel_loop3A_185, %parallel_loop3A_193, %parallel_loop3A_194, %parallel_loop3A_202, %parallel_loop3A_203, %parallel_loop3A_211, %parallel_loop3A_212, %parallel_loop3A_220, %parallel_loop3A_221 : vector<16xf32>, vector<16xf32>, vector<16xf32>, vector<16xf32>, vector<16xf32>, vector<16xf32>, vector<16xf32>, vector<16xf32>, vector<16xf32>, vector<16xf32>, vector<16xf32>, vector<16xf32>, vector<16xf32>, vector<16xf32>, vector<16xf32>, vector<16xf32>
    } {sc.loop_unroll_factor = 2 : i64, sc.parallel_access}
    %add3A_38 = vector.broadcast %squeeze3A : f32 to vector<16xf32>
    %add3A_39 = arith.addf %parallel_loop3A_37#0, %add3A_38 : vector<16xf32>
    %swap3A = arith.constant 0 : i32
    %swap3A_40 = arith.index_cast %swap3A : i32 to index
    %swap3A_41 = arith.constant 0 : index
    %swap3A_42 = tpu.vector_load %arg8[%swap3A_40, %swap3A_41] {strides = array<i32>} : memref<2x128xf32, #tpu.memory_space<vmem>>, vector<16xf32>,
    tpu.vector_store %arg8[%swap3A_40, %swap3A_41], %add3A_39 {strides = array<i32>} : memref<2x128xf32, #tpu.memory_space<vmem>>, vector<16xf32>,
    %add3A_43 = vector.broadcast %squeeze3A_33 : f32 to vector<16xf32>
    %add3A_44 = arith.addf %parallel_loop3A_37#1, %add3A_43 : vector<16xf32>
    %swap3A_45 = arith.constant 1 : i32
    %swap3A_46 = arith.index_cast %swap3A_45 : i32 to index
    %swap3A_47 = arith.constant 0 : index
    %swap3A_48 = tpu.vector_load %arg8[%swap3A_46, %swap3A_47] {strides = array<i32>} : memref<2x128xf32, #tpu.memory_space<vmem>>, vector<16xf32>,
    tpu.vector_store %arg8[%swap3A_46, %swap3A_47], %add3A_44 {strides = array<i32>} : memref<2x128xf32, #tpu.memory_space<vmem>>, vector<16xf32>,
    %add3A_49 = vector.broadcast %squeeze3A : f32 to vector<16xf32>
    %add3A_50 = arith.addf %parallel_loop3A_37#2, %add3A_49 : vector<16xf32>
    %swap3A_51 = arith.constant 0 : i32
    %swap3A_52 = arith.index_cast %swap3A_51 : i32 to index
    %swap3A_53 = arith.constant 16 : index
    %swap3A_54 = tpu.vector_load %arg8[%swap3A_52, %swap3A_53] {strides = array<i32>} : memref<2x128xf32, #tpu.memory_space<vmem>>, vector<16xf32>,
    tpu.vector_store %arg8[%swap3A_52, %swap3A_53], %add3A_50 {strides = array<i32>} : memref<2x128xf32, #tpu.memory_space<vmem>>, vector<16xf32>,
    %add3A_55 = vector.broadcast %squeeze3A_33 : f32 to vector<16xf32>
    %add3A_56 = arith.addf %parallel_loop3A_37#3, %add3A_55 : vector<16xf32>
    %swap3A_57 = arith.constant 1 : i32
    %swap3A_58 = arith.index_cast %swap3A_57 : i32 to index
    %swap3A_59 = arith.constant 16 : index
    %swap3A_60 = tpu.vector_load %arg8[%swap3A_58, %swap3A_59] {strides = array<i32>} : memref<2x128xf32, #tpu.memory_space<vmem>>, vector<16xf32>,
    tpu.vector_store %arg8[%swap3A_58, %swap3A_59], %add3A_56 {strides = array<i32>} : memref<2x128xf32, #tpu.memory_space<vmem>>, vector<16xf32>,
    %add3A_61 = vector.broadcast %squeeze3A : f32 to vector<16xf32>
    %add3A_62 = arith.addf %parallel_loop3A_37#4, %add3A_61 : vector<16xf32>
    %swap3A_63 = arith.constant 0 : i32
    %swap3A_64 = arith.index_cast %swap3A_63 : i32 to index
    %swap3A_65 = arith.constant 32 : index
    %swap3A_66 = tpu.vector_load %arg8[%swap3A_64, %swap3A_65] {strides = array<i32>} : memref<2x128xf32, #tpu.memory_space<vmem>>, vector<16xf32>,
    tpu.vector_store %arg8[%swap3A_64, %swap3A_65], %add3A_62 {strides = array<i32>} : memref<2x128xf32, #tpu.memory_space<vmem>>, vector<16xf32>,
    %add3A_67 = vector.broadcast %squeeze3A_33 : f32 to vector<16xf32>
    %add3A_68 = arith.addf %parallel_loop3A_37#5, %add3A_67 : vector<16xf32>
    %swap3A_69 = arith.constant 1 : i32
    %swap3A_70 = arith.index_cast %swap3A_69 : i32 to index
    %swap3A_71 = arith.constant 32 : index
    %swap3A_72 = tpu.vector_load %arg8[%swap3A_70, %swap3A_71] {strides = array<i32>} : memref<2x128xf32, #tpu.memory_space<vmem>>, vector<16xf32>,
    tpu.vector_store %arg8[%swap3A_70, %swap3A_71], %add3A_68 {strides = array<i32>} : memref<2x128xf32, #tpu.memory_space<vmem>>, vector<16xf32>,
    %add3A_73 = vector.broadcast %squeeze3A : f32 to vector<16xf32>
    %add3A_74 = arith.addf %parallel_loop3A_37#6, %add3A_73 : vector<16xf32>
    %swap3A_75 = arith.constant 0 : i32
    %swap3A_76 = arith.index_cast %swap3A_75 : i32 to index
    %swap3A_77 = arith.constant 48 : index
    %swap3A_78 = tpu.vector_load %arg8[%swap3A_76, %swap3A_77] {strides = array<i32>} : memref<2x128xf32, #tpu.memory_space<vmem>>, vector<16xf32>,
    tpu.vector_store %arg8[%swap3A_76, %swap3A_77], %add3A_74 {strides = array<i32>} : memref<2x128xf32, #tpu.memory_space<vmem>>, vector<16xf32>,
    %add3A_79 = vector.broadcast %squeeze3A_33 : f32 to vector<16xf32>
    %add3A_80 = arith.addf %parallel_loop3A_37#7, %add3A_79 : vector<16xf32>
    %swap3A_81 = arith.constant 1 : i32
    %swap3A_82 = arith.index_cast %swap3A_81 : i32 to index
    %swap3A_83 = arith.constant 48 : index
    %swap3A_84 = tpu.vector_load %arg8[%swap3A_82, %swap3A_83] {strides = array<i32>} : memref<2x128xf32, #tpu.memory_space<vmem>>, vector<16xf32>,
    tpu.vector_store %arg8[%swap3A_82, %swap3A_83], %add3A_80 {strides = array<i32>} : memref<2x128xf32, #tpu.memory_space<vmem>>, vector<16xf32>,
    %add3A_85 = vector.broadcast %squeeze3A : f32 to vector<16xf32>
    %add3A_86 = arith.addf %parallel_loop3A_37#8, %add3A_85 : vector<16xf32>
    %swap3A_87 = arith.constant 0 : i32
    %swap3A_88 = arith.index_cast %swap3A_87 : i32 to index
    %swap3A_89 = arith.constant 64 : index
    %swap3A_90 = tpu.vector_load %arg8[%swap3A_88, %swap3A_89] {strides = array<i32>} : memref<2x128xf32, #tpu.memory_space<vmem>>, vector<16xf32>,
    tpu.vector_store %arg8[%swap3A_88, %swap3A_89], %add3A_86 {strides = array<i32>} : memref<2x128xf32, #tpu.memory_space<vmem>>, vector<16xf32>,
    %add3A_91 = vector.broadcast %squeeze3A_33 : f32 to vector<16xf32>
    %add3A_92 = arith.addf %parallel_loop3A_37#9, %add3A_91 : vector<16xf32>
    %swap3A_93 = arith.constant 1 : i32
    %swap3A_94 = arith.index_cast %swap3A_93 : i32 to index
    %swap3A_95 = arith.constant 64 : index
    %swap3A_96 = tpu.vector_load %arg8[%swap3A_94, %swap3A_95] {strides = array<i32>} : memref<2x128xf32, #tpu.memory_space<vmem>>, vector<16xf32>,
    tpu.vector_store %arg8[%swap3A_94, %swap3A_95], %add3A_92 {strides = array<i32>} : memref<2x128xf32, #tpu.memory_space<vmem>>, vector<16xf32>,
    %add3A_97 = vector.broadcast %squeeze3A : f32 to vector<16xf32>
    %add3A_98 = arith.addf %parallel_loop3A_37#10, %add3A_97 : vector<16xf32>
    %swap3A_99 = arith.constant 0 : i32
    %swap3A_100 = arith.index_cast %swap3A_99 : i32 to index
    %swap3A_101 = arith.constant 80 : index
    %swap3A_102 = tpu.vector_load %arg8[%swap3A_100, %swap3A_101] {strides = array<i32>} : memref<2x128xf32, #tpu.memory_space<vmem>>, vector<16xf32>,
    tpu.vector_store %arg8[%swap3A_100, %swap3A_101], %add3A_98 {strides = array<i32>} : memref<2x128xf32, #tpu.memory_space<vmem>>, vector<16xf32>,
    %add3A_103 = vector.broadcast %squeeze3A_33 : f32 to vector<16xf32>
    %add3A_104 = arith.addf %parallel_loop3A_37#11, %add3A_103 : vector<16xf32>
    %swap3A_105 = arith.constant 1 : i32
    %swap3A_106 = arith.index_cast %swap3A_105 : i32 to index
    %swap3A_107 = arith.constant 80 : index
    %swap3A_108 = tpu.vector_load %arg8[%swap3A_106, %swap3A_107] {strides = array<i32>} : memref<2x128xf32, #tpu.memory_space<vmem>>, vector<16xf32>,
    tpu.vector_store %arg8[%swap3A_106, %swap3A_107], %add3A_104 {strides = array<i32>} : memref<2x128xf32, #tpu.memory_space<vmem>>, vector<16xf32>,
    %add3A_109 = vector.broadcast %squeeze3A : f32 to vector<16xf32>
    %add3A_110 = arith.addf %parallel_loop3A_37#12, %add3A_109 : vector<16xf32>
    %swap3A_111 = arith.constant 0 : i32
    %swap3A_112 = arith.index_cast %swap3A_111 : i32 to index
    %swap3A_113 = arith.constant 96 : index
    %swap3A_114 = tpu.vector_load %arg8[%swap3A_112, %swap3A_113] {strides = array<i32>} : memref<2x128xf32, #tpu.memory_space<vmem>>, vector<16xf32>,
    tpu.vector_store %arg8[%swap3A_112, %swap3A_113], %add3A_110 {strides = array<i32>} : memref<2x128xf32, #tpu.memory_space<vmem>>, vector<16xf32>,
    %add3A_115 = vector.broadcast %squeeze3A_33 : f32 to vector<16xf32>
    %add3A_116 = arith.addf %parallel_loop3A_37#13, %add3A_115 : vector<16xf32>
    %swap3A_117 = arith.constant 1 : i32
    %swap3A_118 = arith.index_cast %swap3A_117 : i32 to index
    %swap3A_119 = arith.constant 96 : index
    %swap3A_120 = tpu.vector_load %arg8[%swap3A_118, %swap3A_119] {strides = array<i32>} : memref<2x128xf32, #tpu.memory_space<vmem>>, vector<16xf32>,
    tpu.vector_store %arg8[%swap3A_118, %swap3A_119], %add3A_116 {strides = array<i32>} : memref<2x128xf32, #tpu.memory_space<vmem>>, vector<16xf32>,
    %add3A_121 = vector.broadcast %squeeze3A : f32 to vector<16xf32>
    %add3A_122 = arith.addf %parallel_loop3A_37#14, %add3A_121 : vector<16xf32>
    %swap3A_123 = arith.constant 0 : i32
    %swap3A_124 = arith.index_cast %swap3A_123 : i32 to index
    %swap3A_125 = arith.constant 112 : index
    %swap3A_126 = tpu.vector_load %arg8[%swap3A_124, %swap3A_125] {strides = array<i32>} : memref<2x128xf32, #tpu.memory_space<vmem>>, vector<16xf32>,
    tpu.vector_store %arg8[%swap3A_124, %swap3A_125], %add3A_122 {strides = array<i32>} : memref<2x128xf32, #tpu.memory_space<vmem>>, vector<16xf32>,
    %add3A_127 = vector.broadcast %squeeze3A_33 : f32 to vector<16xf32>
    %add3A_128 = arith.addf %parallel_loop3A_37#15, %add3A_127 : vector<16xf32>
    %swap3A_129 = arith.constant 1 : i32
    %swap3A_130 = arith.index_cast %swap3A_129 : i32 to index
    %swap3A_131 = arith.constant 112 : index
    %swap3A_132 = tpu.vector_load %arg8[%swap3A_130, %swap3A_131] {strides = array<i32>} : memref<2x128xf32, #tpu.memory_space<vmem>>, vector<16xf32>,
    tpu.vector_store %arg8[%swap3A_130, %swap3A_131], %add3A_128 {strides = array<i32>} : memref<2x128xf32, #tpu.memory_space<vmem>>, vector<16xf32>,
    "tpu.region"() ({
      %run_scoped3A = tpu.sem_alloc : memref<!tpu.dma_semaphore, #tpu.memory_space<semaphore_mem>>
      %dma_start3A_133 = arith.constant 0 : i32
      %dma_start3A_134 = tpu.memref_slice %arg5[%dma_start3A_133, %mul3A_2] : memref<2x4096xf32, #tpu.memory_space<hbm>> -> memref<2x128xf32, #tpu.memory_space<hbm>>
      %dma_start3A_135 = arith.constant 0 : i32
      %dma_start3A_136 = tpu.memref_slice %arg5[%dma_start3A_135, %mul3A_2] : memref<2x4096xf32, #tpu.memory_space<hbm>> -> memref<2x128xf32, #tpu.memory_space<hbm>>
      tpu.enqueue_dma source(%arg8 : memref<2x128xf32, #tpu.memory_space<vmem>>) target(%dma_start3A_136 : memref<2x128xf32, #tpu.memory_space<hbm>>) target_semaphore(%run_scoped3A : memref<!tpu.dma_semaphore, #tpu.memory_space<semaphore_mem>>)
      %dma_wait3A_137 = arith.constant 0 : i32
      %dma_wait3A_138 = tpu.memref_slice %arg5[%dma_wait3A_137, %mul3A_2] : memref<2x4096xf32, #tpu.memory_space<hbm>> -> memref<2x128xf32, #tpu.memory_space<hbm>>
      %dma_wait3A_139 = arith.constant 0 : i32
      %dma_wait3A_140 = tpu.memref_slice %arg5[%dma_wait3A_139, %mul3A_2] : memref<2x4096xf32, #tpu.memory_space<hbm>> -> memref<2x128xf32, #tpu.memory_space<hbm>>
      tpu.wait_dma2 semaphore(%run_scoped3A : memref<!tpu.dma_semaphore, #tpu.memory_space<semaphore_mem>>) src(%arg8 : memref<2x128xf32, #tpu.memory_space<vmem>>) dst(%dma_wait3A_140 : memref<2x128xf32, #tpu.memory_space<hbm>>)
      tpu.yield
    }) : () -> ()
    return
  }
}

module attributes {stable_mosaic.version = 14 : i64} {
  func.func @_project_body(%arg0: i32, %arg1: memref<64x32768xf32, #tpu.memory_space<vmem>>, %arg2: memref<2x64xf32, #tpu.memory_space<vmem>>, %arg3: memref<32768xi32, #tpu.memory_space<vmem>>) attributes {dimension_semantics = [#tpu.dimension_semantics<arbitrary>], iteration_bounds = array<i64: 4>, scalar_prefetch = 0 : i64, scratch_operands = 0 : i64, tpu.core_type = #tpu.core_type<tc>, window_params = [{transform_indices = @transform_0, window_bounds = array<i64: 64, 32768>}, {pipeline_mode = #tpu.pipeline_mode<synchronous>, transform_indices = @transform_1, window_bounds = array<i64: 2, 64>}, {transform_indices = @transform_2, window_bounds = array<i64: 32768>}]} {
    %get3A = arith.constant 0 : index
    %get3A_0 = arith.constant 0 : index
    %get3A_1 = vector.load %arg1[%get3A, %get3A_0] : memref<64x32768xf32, #tpu.memory_space<vmem>>, vector<64x32768xf32>
    %get3A_2 = arith.constant 0 : index
    %get3A_3 = arith.constant 0 : index
    %get3A_4 = vector.load %arg2[%get3A_2, %get3A_3] : memref<2x64xf32, #tpu.memory_space<vmem>>, vector<2x64xf32>
    %dot_general3A = arith.constant dense<0.000000e+00> : vector<2x32768xf32>
    %dot_general3A_5 = tpu.matmul %get3A_4, %get3A_1, %dot_general3A {dimension_numbers = #tpu.dot_dimension_numbers<[1], [0], [0], [1], [0, 0, 1, 1], [], []>, transpose_lhs_hint = false} : vector<2x64xf32>, vector<64x32768xf32>, vector<2x32768xf32> -> vector<2x32768xf32>
    %mul3A = arith.constant 5.000000e-03 : f32
    %mul3A_6 = vector.broadcast %mul3A : f32 to vector<2x32768xf32>
    %mul3A_7 = arith.mulf %dot_general3A_5, %mul3A_6 : vector<2x32768xf32>
    %convert_element_type3A = arith.truncf %mul3A_7 : vector<2x32768xf32> to vector<2x32768xbf16>
    %bitcast_convert_type3A = tpu.bitcast %convert_element_type3A : vector<2x32768xbf16> -> vector<2x32768xi16>
    %slice3A = vector.extract_strided_slice %bitcast_convert_type3A {offsets = [0, 0], sizes = [1, 32768], strides = [1, 1]} : vector<2x32768xi16> to vector<1x32768xi16>
    %squeeze3A = vector.shape_cast %slice3A : vector<1x32768xi16> to vector<32768xi16>
    %convert_element_type3A_8 = arith.extui %squeeze3A : vector<32768xi16> to vector<32768xi32>
    %slice3A_9 = vector.extract_strided_slice %bitcast_convert_type3A {offsets = [1, 0], sizes = [1, 32768], strides = [1, 1]} : vector<2x32768xi16> to vector<1x32768xi16>
    %squeeze3A_10 = vector.shape_cast %slice3A_9 : vector<1x32768xi16> to vector<32768xi16>
    %convert_element_type3A_11 = arith.extui %squeeze3A_10 : vector<32768xi16> to vector<32768xi32>
    %shift_left3A = arith.constant 16 : i32
    %shift_left3A_12 = vector.broadcast %shift_left3A : i32 to vector<32768xi32>
    %shift_left3A_13 = arith.shli %convert_element_type3A_11, %shift_left3A_12 : vector<32768xi32>
    %or3A = arith.ori %convert_element_type3A_8, %shift_left3A_13 : vector<32768xi32>
    %swap3A = arith.constant 0 : index
    %swap3A_14 = vector.load %arg3[%swap3A] : memref<32768xi32, #tpu.memory_space<vmem>>, vector<32768xi32>
    tpu.vector_store %arg3[%swap3A], %or3A {strides = array<i32>} : memref<32768xi32, #tpu.memory_space<vmem>>, vector<32768xi32>,
    return
  }
  func.func @transform_0(%arg0: i32) -> (i32, i32) {
    %c0_i32 = arith.constant 0 : i32
    %c0_i32_0 = arith.constant 0 : i32
    return %c0_i32, %arg0 : i32, i32
  }
  func.func @transform_1(%arg0: i32) -> (i32, i32) {
    %c0_i32 = arith.constant 0 : i32
    %c0_i32_0 = arith.constant 0 : i32
    %c0_i32_1 = arith.constant 0 : i32
    return %c0_i32, %c0_i32_0 : i32, i32
  }
  func.func @transform_2(%arg0: i32) -> i32 {
    %c0_i32 = arith.constant 0 : i32
    return %arg0 : i32
  }
}

</mosaic_0001>

<sc_bundles>
// kernel: kernel.4.cloned.1.call-start
scs
__scs_entry_jumppad:
0x0: {  	(pc) =	sbr.rel $0x88, $3  }
0x1: {  	(tag) =	ssettag $0x0;
	lr =	simm.s32 $0x1  }
0x2: {  	[smem:$0x3F9D] =	sst lr;
	_ =	strace $0xD0000000  }
0x3: {  	_ = 	snop  }
0x4: {  	_ = 	snop  }
0x5: {  	_ = 	snop  }
0x6: {  	_ = 	snop  }
0x7: {  	_ = 	snop  }
__scs_overlays_trampoline_lowered:
0x8: {  	[smem:$0x3FAC] =	sst s0  }
0x9: {  	[smem:$0x3FAD] =	sst s1  }
0xa: {  	[smem:$0x3FAE] =	sst s2  }
0xb: {  	[smem:$0x3FAF] =	sst s3  }
0xc: {  	[smem:$0x3FB0] =	sst s4  }
0xd: {  	[smem:$0x3FB1] =	sst s5  }
0xe: {  	[smem:$0x3FB2] =	sst s6  }
0xf: {  	[smem:$0x3FB3] =	sst s7  }
0x10: {  	[smem:$0x3FB4] =	sst s8  }
0x11: {  	[smem:$0x3FB5] =	sst s9;
	s0 =	simm.s32 @!p0 $0x0  }
0x12: {  	s1 =	sld [smem:$0x3F9B];
	s0 =	simm.s32 @p0 $0x1  }
0x13: {  	[smem:$0x3FB6] =	sst s0;
	s0 =	simm.s32 @!p1 $0x0  }
0x14: {  	s2 =	sld [smem:$0x3F9A];
	s0 =	simm.s32 @p1 $0x1  }
0x15: {  	[smem:$0x3FB7] =	sst s0;
	s0 =	simm.s32 @!p2 $0x0  }
0x16: {  	s3 =	sld [smem:$0x3FDB];
	s0 =	simm.s32 @p2 $0x1  }
0x17: {  	s4 =	simm.s32 $0x1BF5;
	[smem:$0x3FB9] =	sst s0  }
0x18: {  	s0 =	sld [smem:$0x3F9C];
	_ =	swait.ge [sflag:s4], $0x0  }
0x19: {  	s7 =	sld [smem:$0x3F9D]  }
0x1a: {  	s8 =	sadd.s32 $0xFFFFE003, lr  }
0x1b: {  	s9 =	sadd.s32 $0xFFFFFEF7, lr;
	s5 =	simm.s32 $0xFFFFFFFF;
	p2 =	slt.u32 s8, $0xFFFFF086  }
0x1c: {  	p1 =	slt.u32 s9, $0xF7A;
	s5 =	simm.s32 @!p2 $0x0  }
0x1d: {  	s5 =	simm.s32 @p1 $0x1;
	p0 =	seq.s32 s7, s2  }
0x1e: {  	s7 =	smul.u32 @!p0 $0xF7A, s2;
	p2 =	seq.s32 @!p0 s5, $0x0  }
0x1f: {  	s9 =	smul.u32 $0xF7A, s1;
	s8 =	simm.s32 @!p0 $0x1BF5;
	p2 =	por !p2, p0  }
0x20: {  	[sflag:s8] =	ssyncset.s32 @!p0 $0xFFFFF086;
	s6 =	sadd.s32 @!p0 s3, s7;
	s7 =	simm.s32 @!p0 $0x108  }
0x21: {  	s3 =	sadd.s32 s3, s9;
	s6 =	sadd.s32 @!p0 $0x88, s6;
	s7 =	simm.s32 @p2 $0x1082  }
0x22: {  	[simem:s7], [sflag:s8] =	dma.local @!p0 [hbm:s6], $0xF7A  }
0x23: {  	s9 =	sor.u32 $0xD0000000, s2;
	s6 =	simm.s32 $0x108;
	_ =	swait.ge @!p0 [sflag:s8], $0x0  }
0x24: {  	s3 =	sadd.s32 $0x88, s3;
	s6 =	simm.s32 @!p1 $0x1082;
	[sflag:s4] =	ssyncset.s32 $0xFFFFF086  }
0x25: {  	[simem:s6], [sflag:s4] =	dma.local [hbm:s3], $0xF7A  }
0x26: {  	[smem:$0x3F9D] =	sst s1;
	(tag) =	ssettag s2;
	_ =	strace s9  }
0x27: {  	s1 =	sld [smem:$0x3FAD]  }
0x28: {  	s2 =	sld [smem:$0x3FAE]  }
0x29: {  	s4 =	sld [smem:$0x3FB0]  }
0x2a: {  	p0 =	seq.s32 s5, $0x0;
	s5 =	sld [smem:$0x3FB1]  }
0x2b: {  	s6 =	sld [smem:$0x3FB2]  }
0x2c: {  	s7 =	sld [smem:$0x3FB3]  }
0x2d: {  	s3 =	simm.s32 $0x108;
	s8 =	sld [smem:$0x3FB4]  }
0x2e: {  	s3 =	simm.s32 @!p0 $0x1082;
	s9 =	sld [smem:$0x3FB5]  }
0x2f: {  	lr =	sadd.s32 s0, s3;
	s0 =	sld [smem:$0x3FAC]  }
0x30: {  	s3 =	sld [smem:$0x3FAF]  }
0x31: {  	[smem:$0x3FB8] =	sst s10  }
0x32: {  	s10 =	sld [smem:$0x3FB6];
	_ =	sdelay $0x3  }
0x33: {  	p0 =	seq.s32 s10, $0x1;
	s10 =	sld [smem:$0x3FB8];
	_ =	sdelay $0x3  }
0x34: {  	[smem:$0x3FB8] =	sst s10  }
0x35: {  	s10 =	sld [smem:$0x3FB7];
	_ =	sdelay $0x3  }
0x36: {  	p1 =	seq.s32 s10, $0x1;
	s10 =	sld [smem:$0x3FB8];
	_ =	sdelay $0x3  }
0x37: {  	[smem:$0x3FB8] =	sst s10  }
0x38: {  	s10 =	sld [smem:$0x3FB9]  }
0x39: {  	_ = 	snop;
	(pc) =	sbr.ind lr, $3  }
0x3a: {  	_ = 	snop  }
0x3b: {  	_ = 	snop  }
0x3c: {  	p2 =	seq.s32 s10, $0x1;
	s10 =	sld [smem:$0x3FB8]  }
0x3d: {  	_ =	shalt  }
0x3e: {  	_ =	shalt  }
0x3f: {  	_ =	shalt  }
0x40: {  	_ =	shalt  }
0x41: {  	_ =	shalt  }
0x42: {  	_ =	shalt  }
0x43: {  	_ =	shalt  }
0x44: {  	_ =	shalt  }
0x45: {  	_ =	shalt  }
0x46: {  	_ =	shalt  }
0x47: {  	_ =	shalt  }
0x48: {  	_ =	shalt  }
0x49: {  	_ =	shalt  }
0x4a: {  	_ =	shalt  }
0x4b: {  	_ =	shalt  }
0x4c: {  	_ =	shalt  }
0x4d: {  	_ =	shalt  }
0x4e: {  	_ =	shalt  }
0x4f: {  	_ =	shalt  }
0x50: {  	_ =	shalt  }
0x51: {  	_ =	shalt  }
0x52: {  	_ =	shalt  }
0x53: {  	_ =	shalt  }
0x54: {  	_ =	shalt  }
0x55: {  	_ =	shalt  }
0x56: {  	_ =	shalt  }
0x57: {  	_ =	shalt  }
0x58: {  	_ =	shalt  }
0x59: {  	_ =	shalt  }
0x5a: {  	_ =	shalt  }
0x5b: {  	_ =	shalt  }
0x5c: {  	_ =	shalt  }
0x5d: {  	_ =	shalt  }
0x5e: {  	_ =	shalt  }
0x5f: {  	_ =	shalt  }
0x60: {  	_ =	shalt  }
0x61: {  	_ =	shalt  }
0x62: {  	_ =	shalt  }
0x63: {  	_ =	shalt  }
0x64: {  	_ =	shalt  }
0x65: {  	_ =	shalt  }
0x66: {  	_ =	shalt  }
0x67: {  	_ =	shalt  }
0x68: {  	_ =	shalt  }
0x69: {  	_ =	shalt  }
0x6a: {  	_ =	shalt  }
0x6b: {  	_ =	shalt  }
0x6c: {  	_ =	shalt  }
0x6d: {  	_ =	shalt  }
0x6e: {  	_ =	shalt  }
0x6f: {  	_ =	shalt  }
0x70: {  	_ =	shalt  }
0x71: {  	_ =	shalt  }
0x72: {  	_ =	shalt  }
0x73: {  	_ =	shalt  }
0x74: {  	_ =	shalt  }
0x75: {  	_ =	shalt  }
0x76: {  	_ =	shalt  }
0x77: {  	_ =	shalt  }
0x78: {  	_ =	shalt  }
0x79: {  	_ =	shalt  }
0x7a: {  	_ =	shalt  }
0x7b: {  	_ =	shalt  }
0x7c: {  	_ =	shalt  }
0x7d: {  	_ =	shalt  }
0x7e: {  	_ =	shalt  }
0x7f: {  	_ =	shalt  }
0x80: {  	_ =	shalt  }
0x81: {  	_ =	shalt  }
0x82: {  	_ =	shalt  }
0x83: {  	_ =	shalt  }
0x84: {  	_ =	shalt  }
0x85: {  	_ =	shalt  }
0x86: {  	_ =	shalt  }
0x87: {  	_ =	shalt  }
.Lfunc_end0:
.L_simem_size_0:
called_computation_lowered:
.L_overlay_start_0:
0x88: {  	s2 =	sld [smem:$0x3FD9]  }
0x89: {  	s3 =	sld [smem:$0x3FFE];
	_ =	sdelay $0x1  }
0x8a: {  	s1 =	srdreg.scid  }
0x8b: {  	s0 =	sand.u32 $0x1, s1  }
0x8c: {  	s17 =	sshll.u32 s0, $0xA;
	s2 =	sadd.s32 s3, s2  }
0x8d: {  	s2 =	sadd.s32 s2, s17  }
0x8e: {  	[smem:$0x3FC4] =	sst s2  }
0x8f: {  	_ = 	snop  }
0x90: {  	s2 =	sld [smem:$0x3FC9]  }
0x91: {  	s18 =	sld [smem:$0x3FC6]  }
0x92: {  	s4 =	sld [smem:$0x3FD0];
	(tm) =	ssettm $0x1  }
0x93: {  	s5 =	sld [smem:$0x3FFB];
	_ =	sdelay $0x3  }
0x94: {  	_ =	strace s5  }
0x95: {  	s5 =	sld [smem:$0x3FFC];
	_ =	sdelay $0x3  }
0x96: {  	_ =	strace s5  }
0x97: {  	s5 =	sld [smem:$0x3FFD];
	_ =	sdelay $0x3  }
0x98: {  	_ =	strace s5  }
0x99: {  	_ =	strace $0x8FFFFFFF  }
0x9a: {  	s19 =	sld [smem:$0x3FDB];
	_ =	sdelay $0x1  }
0x9b: {  	s6 =	simm.s32 $_scs_section_size  }
0x9c: {  	s7 =	simm.s32 $_size__tile_overlayer_lowered;
	s8 =	simm.s32 $_tile_overlayer_lowered  }
0x9d: {  	s22 =	simm.s32 $0x1BFF;
	s21 =	sshll.u32 s8, $0x1;
	s5 =	sadd.s32 s6, s19  }
0x9e: {  	s9 =	simm.s32 $0x0;
	s20 =	sshll.u32 s7, $0x1;
	s7 =	sadd.s32 s21, s5  }
0x9f: {  	[timem:s9], [sflag:s22] =	dma.local [hbm:s7], s20  }
0xa0: {  	_ =	swait.ge [sflag:s22], s20  }
0xa1: {  	s6 =	ssub.s32 $0x0, s20;
	[sflag:s22] =	ssyncset.done $0x0  }
0xa2: {  	[sflag:s22] =	ssyncadd.s32 s6;
	_ =	sdelay $0x1  }
0xa3: {  	s23 =	simm.s32 $0x1B8B  }
0xa4: {  	_ =	swait.ge [sflag:s23], $0x1  }
0xa5: {  	[sflag:s23] =	ssyncset.done $0x0  }
0xa6: {  	s25 =	simm.s32 $0x1B8E;
	s24 =	sld [smem:$0x3FFE];
	[sflag:s23] =	ssyncadd.s32 $0xFFFFFFFF  }
0xa7: {  	s26 =	simm.s32 $execute0_lowered;
	[smem:$0x3FD2] =	sst s25  }
0xa8: {  	s7 =	sshll.u32 s26, $0x1;
	_ =	strace $0x80000046;
	[dreg:$0x1] =	wrdreg $0xFFFFFFFF  }
0xa9: {  	s28 =	simm.s32 $_size_execute0_lowered;
	s5 =	sadd.s32 s5, s7;
	[dreg:$0x0] =	wrdreg $0x0  }
0xaa: {  	s7 =	sshll.u32 s28, $0x1;
	[dreg:$0x2] =	wrdreg s5  }
0xab: {  	[dreg:$0x3] =	wrdreg s7  }
0xac: {  	[dreg:$0x4] =	wrdreg $0xC0  }
0xad: {  	_ =	task [dreg:s9], $0x5FFFF  }
0xae: {  	[dreg:$0x1] =	wrdreg $0xFFFFFFFF  }
0xaf: {  	[dreg:$0x0] =	wrdreg $0x60  }
0xb0: {  	[dreg:$0x2] =	wrdreg s24  }
0xb1: {  	[dreg:$0x3] =	wrdreg s2  }
0xb2: {  	[dreg:$0x4] =	wrdreg s18  }
0xb3: {  	[dreg:$0x5] =	wrdreg s4  }
0xb4: {  	[dreg:$0x6] =	wrdreg $0x1EC800  }
0xb5: {  	[dreg:$0x7] =	wrdreg $0x9  }
0xb6: {  	_ =	task.clear_ibuf [dreg:s9], $0x8FFFF;
	_ =	strace $0x90000046  }
0xb7: {  	s29 =	simm.s32 $0x9;
	_ =	strace $0x80000048  }
0xb8: {  	_ =	swait.ge [sflag:s29], $0x1  }
0xb9: {  	[sflag:s29] =	ssyncadd.s32 $0xFFFFFFFF  }
0xba: {  	_ =	strace $0x90000048  }
0xbb: {  	_ =	sfence  }
0xbc: {  	s30 =	sld [smem:$0x0];
	_ =	sdelay $0x2  }
0xbd: {  	s31 =	sshll.u32 s1, $0xD;
	s1 =	sshrl.u32 s1, $0x2  }
0xbe: {  	s3 =	sand.u32 $0x4000, s31;
	s1 =	sadd.s32 s1, s30  }
0xbf: {  	s0 =	sor.u32 s3, s0;
	s1 =	sshll.u32 s1, $0x11  }
0xc0: {  	s0 =	sor.u32 s1, s0  }
0xc1: {  	s0 =	sadd.s32 $0x8F2B, s0  }
0xc2: {  	[sflag:s0] =	ssyncadd.remote.s32 $0x1  }
0xc3: {  	_ =	sfence.sel $0xFFFF  }
0xc4: {  	[dreg:$0x0] =	wrdreg $0xFFFFFFFF;
	(pc) =	sbr.abs _section_cstart, $3  }
0xc5: {  	[dreg:$0x1] =	wrdreg $0xFFFFFFFF  }
0xc6: {  	_ =	task.clear_ibuf [dreg:s9], $0x2FFFF;
	_ =	strace $0x9FFFFFFF  }
0xc7: {  	(tm) =	ssettm $0x7FFFFFFF  }
tec
execute0_lowered:
.L_overlay_start_1:
0x0: {  	(tag) =	ssettag $0x1  }
0x1: {  	s6 =	rddreg [dreg:$0x0]  }
0x2: {  	s5 =	rddreg [dreg:$0x1]  }
0x3: {  	s1 =	rddreg [dreg:$0x2]  }
0x4: {  	s7 =	rddreg [dreg:$0x3]  }
0x5: {  	s2 =	rddreg [dreg:$0x4]  }
0x6: {  	s0 =	rddreg [dreg:$0x5];
	s3 =	simm.s32 $0x0;
	s4 =	srdreg.scid  }
0x7: {  	s9 =	stileid.u32;
	s13 =	simm.s32 $0x4;
	s14 =	simm.s32 $0x30D8  }
0x8: {  	s15 =	simm.s32 $0x2;
	s16 =	simm.s32 $0x1;
	s17 =	simm.s32 $0x1EB00  }
0x9: {  	s18 =	simm.s32 $0x0;
	[smem:$0x7FF] =	sst s3;
	s8 =	sand.u32 $0x1, s4  }
0xa: {  	s11 =	sshll.u32 s9, $0x1;
	s4 =	sadd.s32 $0x800, s6;
	s6 =	sadd.s32 $0xE1B, s6  }
0xb: {  	p0 =	sne.s32 s9, $0x0;
	s9 =	simm.s32 $0x400;
	s10 =	ssub.s32 $0x2, s8  }
0xc: {  	_ =	strace $0x80000047;
	s8 =	sor.u32 s8, s11;
	s12 =	sshrl.u32 s10, $0x1  }
0xd: {  	s11 =	sshll.u32 s8, $0x7;
	s8 =	sshll.u32 s8, $0x5;
	s10 =	ssub.s32 s10, s12  }
0xe: {  	s5 =	sadd.s32 s5, s11;
	s7 =	sadd.s32 s7, s8;
	s11 =	simm.s32 $0x18700  }
0xf: {  	s12 =	simm.s32 $0x1EC00;
	s8 =	smax.u32 s10, $0x1;
	s10 =	simm.s32 $0x8000  }
.LBB2_1:
0x10: {  	[tilespmem:s11], [sflag:$0x2] =	stream.strided.gather [hbm4b:s5+s9], $0x6400, s10, s9, $0x38;
	[tilespmem:$0x1EF90] =	vst v63  }
0x11: {  	_ = 	snop  }
0x12: {  	[tilespmem:s12], [sflag:$0x4] =	stream.linear.gather [hbm4b:s1+s3], $0x2, $0x38;
	[tilespmem:$0x1EF90] =	vst v63  }
0x13: {  	_ =	swait.ge [sflag:s13], $0x2  }
0x14: {  	[sflag:s13] =	ssyncset.done $0x0  }
0x15: {  	[sflag:s13] =	ssyncadd.s32 $0xFFFFFFFE  }
0x16: {  	[tilespmem:s14], [sflag:$0x1] =	stream.linear.gather [hbm4b:s6+s3], $0x155C8, $0x38;
	[tilespmem:$0x1EF90] =	vst v63  }
0x17: {  	s19 =	simm.s32 @p0 $0x0;
	[bflag:$0x0] =	sbarrier.arrive @p0 $0xFFFF  }
0x18: {  	[tilespmem:s19], [sflag:$0x3] =	stream.linear.gather @p0 [spmem:s2], $0x30D8, $0x38;
	[tilespmem:$0x1EF90] =	vst v63  }
0x19: {  	s19 =	simm.s32 @p0 $0x3  }
0x1a: {  	_ =	swait.ge @p0 [sflag:s19], $0x30D8  }
0x1b: {  	[sflag:s19] =	ssyncset.done @p0 $0x0  }
0x1c: {  	s20 =	simm.s32 @!p0 $0x4;
	[sflag:s19] =	ssyncadd.s32 @p0 $0xFFFFCF28;
	s19 =	simm.s32 @!p0 $0x0  }
0x1d: {  	[tilespmem:s19], [sflag:$0x4] =	stream.linear.gather @!p0 [hbm4b:s4+s19], $0x30D8, $0x38;
	[tilespmem:$0x1EF90] =	vst v63  }
0x1e: {  	_ =	swait.ge @!p0 [sflag:s20], $0x30D8  }
0x1f: {  	[sflag:s20] =	ssyncset.done @!p0 $0x0  }
0x20: {  	[sflag:s20] =	ssyncadd.s32 @!p0 $0xFFFFCF28  }
0x21: {  	[spmem:s2] =	stream.linear.scatter @!p0 [tilespmem:s19], [sflag:$0x4], $0x30D8, $0x38;
	[tilespmem:$0x1EF90] =	vst v63  }
0x22: {  	_ =	swait.ge @!p0 [sflag:s20], $0x30D8  }
0x23: {  	[sflag:s20] =	ssyncset.done @!p0 $0x0  }
0x24: {  	[sflag:s20] =	ssyncadd.s32 @!p0 $0xFFFFCF28  }
0x25: {  	[bflag:$0x0] =	sbarrier.arrive @!p0 $0xFFFF  }
0x26: {  	_ =	swait.ge [sflag:s15], $0x6400  }
0x27: {  	[sflag:s15] =	ssyncset.done $0x0  }
0x28: {  	[sflag:s15] =	ssyncadd.s32 $0xFFFF9C00  }
0x29: {  	_ =	swait.ge [sflag:s16], $0x155C8  }
0x2a: {  	[sflag:s16] =	ssyncset.done $0x0  }
0x2b: {  	s31 =	simm.s32 $0x18780;
	[sflag:s16] =	ssyncadd.s32 $0xFFFEAA38  }
0x2c: {  	v0 =	vld [tilespmem:s31+$0x0]  }
0x2d: {  	v1 =	vld [tilespmem:s31+$0x10]  }
0x2e: {  	v2 =	vld [tilespmem:s31+$0x20]  }
0x2f: {  	v3 =	vld [tilespmem:s31+$0x30]  }
0x30: {  	v4 =	vld [tilespmem:s31+$0x40]  }
0x31: {  	v5 =	vld [tilespmem:s31+$0x50]  }
0x32: {  	v6 =	vld [tilespmem:s31+$0x60]  }
0x33: {  	v7 =	vld [tilespmem:s31+$0xFFFFFF80]  }
0x34: {  	v8 =	vld [tilespmem:s31+$0xFFFFFF90]  }
0x35: {  	v9 =	vld [tilespmem:s31+$0xFFFFFFA0]  }
0x36: {  	v10 =	vld [tilespmem:s31+$0xFFFFFFB0]  }
0x37: {  	v27 =	vld [tilespmem:s31+$0xFFFFFFD0]  }
0x38: {  	v0 =	vld.idx.msk [tilespmem:v0+s3+$0x0], $0xffff  }
0x39: {  	v1 =	vld.idx.msk [tilespmem:v1+s3+$0x0], $0xffff  }
0x3a: {  	v2 =	vld.idx.msk [tilespmem:v2+s3+$0x0], $0xffff  }
0x3b: {  	v3 =	vld.idx.msk [tilespmem:v3+s3+$0x0], $0xffff  }
0x3c: {  	v4 =	vld.idx.msk [tilespmem:v4+s3+$0x0], $0xffff  }
0x3d: {  	v5 =	vld.idx.msk [tilespmem:v5+s3+$0x0], $0xffff  }
0x3e: {  	v6 =	vld.idx.msk [tilespmem:v6+s3+$0x0], $0xffff  }
0x3f: {  	v17 =	vimm.f32 $0.0e+00;
	v19 =	vimm.f32 $0.0e+00;
	v20 =	vimm.f32 $0.0e+00;
	v11 =	vld.idx.msk [tilespmem:v7+s3+$0x0], $0xffff  }
0x40: {  	v16 =	vimm.f32 $0.0e+00;
	v12 =	vimm.f32 $0.0e+00;
	v13 =	vimm.f32 $0.0e+00;
	v37 =	vld.idx.msk [tilespmem:v9+s3+$0x0], $0xffff  }
0x41: {  	v15 =	vimm.f32 $0.0e+00;
	v30 =	vunpack.i.u.bf16.f32 v1;
	v32 =	vunpack.i.l.bf16.f32 v1;
	v1 =	vld [tilespmem:s31+$0xFFFFFFC0]  }
0x42: {  	v7 =	vimm.f32 $0.0e+00;
	v36 =	vld.idx.msk [tilespmem:v10+s3+$0x0], $0xffff;
	v10 =	vimm.f32 $0.0e+00;
	v9 =	vimm.f32 $0.0e+00  }
0x43: {  	v35 =	vld.idx.msk [tilespmem:v8+s3+$0x0], $0xffff;
	v8 =	vimm.f32 $0.0e+00;
	v31 =	vunpack.i.u.bf16.f32 v0;
	v34 =	vunpack.i.l.bf16.f32 v0  }
0x44: {  	v23 =	vunpack.i.u.bf16.f32 v2;
	v26 =	vunpack.i.l.bf16.f32 v2;
	v24 =	vunpack.i.u.bf16.f32 v3  }
0x45: {  	v28 =	vld [tilespmem:s31+$0xFFFFFFE0];
	v25 =	vunpack.i.l.bf16.f32 v3;
	v18 =	vunpack.i.u.bf16.f32 v4;
	v22 =	vunpack.i.l.bf16.f32 v4  }
0x46: {  	v29 =	vld [tilespmem:s31+$0xFFFFFFF0];
	v14 =	vunpack.i.u.bf16.f32 v5;
	v21 =	vunpack.i.l.bf16.f32 v5;
	v3 =	vunpack.i.u.bf16.f32 v6  }
0x47: {  	v33 =	vld [tilespmem:s31+$0x70];
	v6 =	vunpack.i.l.bf16.f32 v6;
	v40 =	vunpack.i.u.bf16.f32 v11;
	v41 =	vunpack.i.l.bf16.f32 v11  }
0x48: {  	v0 =	vld [tilespmem:$0x1EC00];
	v39 =	vunpack.i.u.bf16.f32 v35;
	v11 =	vimm.f32 $0.0e+00;
	v4 =	vimm.f32 $0.0e+00  }
0x49: {  	s19 =	simm.s32 $0x0;
	s20 =	simm.s32 $0x18880;
	v5 =	vimm.f32 $0.0e+00;
	v2 =	vimm.f32 $0.0e+00;
	v38 =	vld.idx.msk [tilespmem:v1+s3+$0x0], $0xffff;
	v1 =	vimm.f32 $0.0e+00  }
.LBB2_2:
0x4a: {  	v42 =	vld [tilespmem:s20+$0x0];
	v7 =	vadd.f32 v41, v7;
	v17 =	vadd.f32 v40, v17;
	v35 =	vunpack.i.l.bf16.f32 v35  }
0x4b: {  	v20 =	vadd.f32 v39, v20;
	v19 =	vadd.f32 v35, v19;
	v35 =	vunpack.i.u.bf16.f32 v37;
	v27 =	vld.idx.msk [tilespmem:v27+s3+$0x0], $0xffff  }
0x4c: {  	v37 =	vunpack.i.l.bf16.f32 v37;
	v39 =	vld [tilespmem:s20+$0x10];
	v7 =	vadd.f32 v34, v7;
	v17 =	vadd.f32 v31, v17  }
0x4d: {  	v31 =	vunpack.i.u.bf16.f32 v36;
	v20 =	vadd.f32 v30, v20;
	v28 =	vld.idx.msk [tilespmem:v28+s3+$0x0], $0xffff;
	v19 =	vadd.f32 v32, v19  }
0x4e: {  	v16 =	vadd.f32 v37, v16;
	v12 =	vadd.f32 v35, v12;
	v32 =	vunpack.i.l.bf16.f32 v36;
	v30 =	vld [tilespmem:s20+$0x20]  }
0x4f: {  	v15 =	vadd.f32 v31, v15;
	v13 =	vadd.f32 v32, v13;
	v31 =	vunpack.i.u.bf16.f32 v38;
	v29 =	vld.idx.msk [tilespmem:v29+s3+$0x0], $0xffff  }
0x50: {  	v34 =	vunpack.i.l.bf16.f32 v38;
	v16 =	vadd.f32 v26, v16;
	v12 =	vadd.f32 v23, v12;
	v32 =	vld [tilespmem:s20+$0x30]  }
0x51: {  	v15 =	vadd.f32 v24, v15;
	v23 =	vunpack.i.u.bf16.f32 v27;
	v13 =	vadd.f32 v25, v13;
	v24 =	vld.idx.msk [tilespmem:v33+s3+$0x0], $0xffff  }
0x52: {  	v11 =	vadd.f32 v34, v11;
	v10 =	vadd.f32 v31, v10;
	v26 =	vunpack.i.l.bf16.f32 v27;
	v25 =	vld [tilespmem:s20+$0x40]  }
0x53: {  	v9 =	vadd.f32 v26, v9;
	v8 =	vadd.f32 v23, v8;
	v23 =	vunpack.i.u.bf16.f32 v28;
	v31 =	vld [tilespmem:s20+$0x50]  }
0x54: {  	v11 =	vadd.f32 v22, v11;
	v10 =	vadd.f32 v18, v10;
	v27 =	vunpack.i.l.bf16.f32 v28;
	v26 =	vld [tilespmem:s20+$0x60]  }
0x55: {  	v9 =	vadd.f32 v21, v9;
	v8 =	vadd.f32 v14, v8;
	v22 =	vunpack.i.u.bf16.f32 v29;
	v18 =	vld [tilespmem:s20+$0xFFFFFF80]  }
0x56: {  	v4 =	vadd.f32 v27, v4;
	v5 =	vadd.f32 v23, v5;
	v21 =	vunpack.i.l.bf16.f32 v29;
	v14 =	vld [tilespmem:s20+$0xFFFFFF90]  }
0x57: {  	v2 =	vadd.f32 v21, v2;
	v1 =	vadd.f32 v22, v1;
	v21 =	vunpack.i.u.bf16.f32 v24;
	v23 =	vld [tilespmem:s20+$0xFFFFFFA0]  }
0x58: {  	v4 =	vadd.f32 v6, v4;
	v5 =	vadd.f32 v3, v5;
	v3 =	vunpack.i.l.bf16.f32 v24;
	v22 =	vld [tilespmem:s20+$0xFFFFFFB0]  }
0x59: {  	v2 =	vadd.f32 v3, v2;
	v1 =	vadd.f32 v21, v1;
	v38 =	vld [tilespmem:s20+$0xFFFFFFC0]  }
0x5a: {  	v27 =	vld [tilespmem:s20+$0xFFFFFFD0]  }
0x5b: {  	v3 =	vld.idx.msk [tilespmem:v42+s3+$0x0], $0xffff  }
0x5c: {  	v6 =	vld.idx.msk [tilespmem:v39+s3+$0x0], $0xffff  }
0x5d: {  	v21 =	vld.idx.msk [tilespmem:v30+s3+$0x0], $0xffff  }
0x5e: {  	v33 =	vld.idx.msk [tilespmem:v32+s3+$0x0], $0xffff  }
0x5f: {  	v39 =	vld.idx.msk [tilespmem:v25+s3+$0x0], $0xffff  }
0x60: {  	v40 =	vld.idx.msk [tilespmem:v31+s3+$0x0], $0xffff  }
0x61: {  	v41 =	vld.idx.msk [tilespmem:v26+s3+$0x0], $0xffff  }
0x62: {  	v42 =	vld.idx.msk [tilespmem:v18+s3+$0x0], $0xffff  }
0x63: {  	s19 =	sadd.s32 $0x2, s19;
	v35 =	vld.idx.msk [tilespmem:v14+s3+$0x0], $0xffff  }
0x64: {  	p1 =	slt.u32 s19, $0xC6;
	v31 =	vunpack.i.u.bf16.f32 v3;
	v34 =	vunpack.i.l.bf16.f32 v3;
	v28 =	vld [tilespmem:s20+$0xFFFFFFE0]  }
.Ltmp0:
0x65: {  	v30 =	vunpack.i.u.bf16.f32 v6;
	v32 =	vunpack.i.l.bf16.f32 v6;
	v37 =	vld.idx.msk [tilespmem:v23+s3+$0x0], $0xffff;
	v23 =	vunpack.i.u.bf16.f32 v21;
	(pc) =	sbr.rel @p1 .LBB2_2-.Ltmp0, $4  }
0x66: {  	v26 =	vunpack.i.l.bf16.f32 v21;
	v24 =	vunpack.i.u.bf16.f32 v33;
	v25 =	vunpack.i.l.bf16.f32 v33;
	v29 =	vld [tilespmem:s20+$0xFFFFFFF0]  }
0x67: {  	v18 =	vunpack.i.u.bf16.f32 v39;
	v14 =	vunpack.i.u.bf16.f32 v40;
	v36 =	vld.idx.msk [tilespmem:v22+s3+$0x0], $0xffff;
	v22 =	vunpack.i.l.bf16.f32 v39  }
0x68: {  	v21 =	vunpack.i.l.bf16.f32 v40;
	v3 =	vunpack.i.u.bf16.f32 v41;
	v6 =	vunpack.i.l.bf16.f32 v41;
	v33 =	vld [tilespmem:s20+$0x70]  }
0x69: {  	v40 =	vunpack.i.u.bf16.f32 v42;
	v41 =	vunpack.i.l.bf16.f32 v42;
	v39 =	vunpack.i.u.bf16.f32 v35;
	s20 =	sadd.s32 $0x100, s20;
	v38 =	vld.idx.msk [tilespmem:v38+s3+$0x0], $0xffff  }
0x6a: {  	v7 =	vadd.f32 v41, v7;
	v35 =	vunpack.i.l.bf16.f32 v35  }
0x6b: {  	v17 =	vadd.f32 v40, v17;
	v20 =	vadd.f32 v39, v20;
	v39 =	vunpack.i.l.bf16.f32 v37  }
0x6c: {  	v63 =	vunpack.i.u.bf16.f32 v37;
	v19 =	vadd.f32 v35, v19;
	v16 =	vadd.f32 v39, v16  }
0x6d: {  	v44 =	vbroadcast v0, $0x0;
	v12 =	vadd.f32 v63, v12;
	v7 =	vadd.f32 v34, v7  }
0x6e: {  	v17 =	vadd.f32 v31, v17;
	v20 =	vadd.f32 v30, v20;
	v40 =	vunpack.i.l.bf16.f32 v36  }
0x6f: {  	v41 =	vunpack.i.u.bf16.f32 v36;
	v19 =	vadd.f32 v32, v19;
	v13 =	vadd.f32 v40, v13  }
0x70: {  	v27 =	vld.idx.msk [tilespmem:v27+s3+$0x0], $0xffff;
	v47 =	vbroadcast v0, $0x1;
	v15 =	vadd.f32 v41, v15;
	v16 =	vadd.f32 v26, v16  }
0x71: {  	v45 =	vld.idx.msk [tilespmem:v28+s3+$0x0], $0xffff;
	v12 =	vadd.f32 v23, v12;
	v7 =	vadd.f32 v7, v44  }
0x72: {  	v42 =	vunpack.i.u.bf16.f32 v38;
	v17 =	vadd.f32 v17, v47;
	v51 =	vadd.f32 v20, v47  }
0x73: {  	v43 =	vunpack.i.l.bf16.f32 v38;
	v13 =	vadd.f32 v25, v13;
	v15 =	vadd.f32 v24, v15  }
0x74: {  	v48 =	vld.idx.msk [tilespmem:v29+s3+$0x0], $0xffff;
	v11 =	vadd.f32 v43, v11;
	v10 =	vadd.f32 v42, v10  }
0x75: {  	v46 =	vunpack.i.l.bf16.f32 v27;
	v27 =	vunpack.i.u.bf16.f32 v27;
	v50 =	vadd.f32 v19, v44  }
0x76: {  	v49 =	vld.idx.msk [tilespmem:v33+s3+$0x0], $0xffff;
	v52 =	vadd.f32 v16, v44;
	v53 =	vunpack.i.l.bf16.f32 v45;
	v12 =	vadd.f32 v12, v47;
	[tilespmem:$0x1EB00] =	vst v7  }
0x77: {  	v54 =	vunpack.i.u.bf16.f32 v45;
	v9 =	vadd.f32 v46, v9;
	v8 =	vadd.f32 v27, v8;
	[tilespmem:$0x1EB80] =	vst v17  }
0x78: {  	[tilespmem:$0x1EB90] =	vst v51;
	v4 =	vadd.f32 v53, v4;
	v5 =	vadd.f32 v54, v5  }
0x79: {  	v56 =	vunpack.i.l.bf16.f32 v48;
	v11 =	vadd.f32 v22, v11;
	v10 =	vadd.f32 v18, v10;
	[tilespmem:$0x1EB10] =	vst v50  }
0x7a: {  	v58 =	vunpack.i.u.bf16.f32 v48;
	[tilespmem:$0x1EB20] =	vst v52;
	v55 =	vadd.f32 v13, v44;
	v57 =	vadd.f32 v15, v47  }
0x7b: {  	[tilespmem:$0x1EBA0] =	vst v12;
	v2 =	vadd.f32 v56, v2;
	v1 =	vadd.f32 v58, v1  }
0x7c: {  	v9 =	vadd.f32 v21, v9;
	[tilespmem:$0x1EB30] =	vst v55;
	v59 =	vadd.f32 v11, v44  }
0x7d: {  	v8 =	vadd.f32 v14, v8;
	[tilespmem:$0x1EBB0] =	vst v57;
	v10 =	vadd.f32 v10, v47  }
0x7e: {  	v4 =	vadd.f32 v6, v4;
	v60 =	vadd.f32 v9, v44;
	[tilespmem:$0x1EB40] =	vst v59  }
0x7f: {  	v3 =	vadd.f32 v3, v5;
	v61 =	vunpack.i.l.bf16.f32 v49;
	v62 =	vadd.f32 v8, v47;
	[tilespmem:$0x1EBC0] =	vst v10  }
0x80: {  	v63 =	vunpack.i.u.bf16.f32 v49;
	v2 =	vadd.f32 v61, v2;
	v4 =	vadd.f32 v4, v44;
	[tilespmem:$0x1EB50] =	vst v60  }
0x81: {  	v1 =	vadd.f32 v63, v1;
	v3 =	vadd.f32 v3, v47;
	[tilespmem:$0x1EBD0] =	vst v62  }
0x82: {  	v2 =	vadd.f32 v2, v44;
	[tilespmem:$0x1EB60] =	vst v4  }
0x83: {  	s18 =	sadd.s32 $0x1, s18;
	v0 =	vadd.f32 v1, v47;
	[tilespmem:$0x1EBE0] =	vst v3  }
0x84: {  	p1 =	sne.s32 s18, s8;
	[tilespmem:$0x1EB70] =	vst v2  }
.Ltmp1:
0x85: {  	[tilespmem:$0x1EBF0] =	vst v0;
	(pc) =	sbr.rel @p1 .LBB2_1-.Ltmp1, $4  }
0x86: {  	[hbm4b:s7+s3] =	stream.linear.scatter [tilespmem:s17], [sflag:$0x4], $0x100, $0x38;
	[tilespmem:$0x1EF90] =	vst v63  }
0x87: {  	_ =	swait.ge [sflag:s13], $0x100  }
0x88: {  	[sflag:s13] =	ssyncset.done $0x0  }
0x89: {  	[sflag:s13] =	ssyncadd.s32 $0xFFFFFF00  }
0x8a: {  	_ =	sfence.sel $0x180000  }
0x8b: {  	[bflag:$0x0] =	sbarrier.arrive $0xFFFF  }
0x8c: {  	_ =	strace $0x90000047  }
0x8d: {  	s0 =	sadd.s32 @!p0 $0x100000, s0;
	[bflag:$0x2] =	sbarrier.arrive $0xFFFF  }
0x8e: {  	[sflag:s0] =	ssyncadd.tile.s32 @!p0 $0x1;
	_ =	shalt  }
.Lfunc_end2:
_tile_overlayer_lowered:
.L_overlay_start_2:
0x8f: {  	(tag) =	ssettag $0x2  }
0x90: {  	s0 =	rddreg [dreg:$0x0];
	s2 =	stileid.u32  }
0x91: {  	s1 =	rddreg [dreg:$0x1];
	p0 =	sne.s32 s2, $0x0  }
0x92: {  	s3 =	rddreg [dreg:$0x2];
	[bflag:$0x3] =	sbarrier.arrive $0xFFFF;
	s2 =	simm.s32 @!p0 $0x1C04  }
0x93: {  	[timem:s3], [sflag:s2] =	dma.local @!p0 [hbm:s0], s1  }
0x94: {  	s0 =	simm.s32 @!p0 $0x4  }
0x95: {  	_ =	swait.ge @!p0 [sflag:s0], s1  }
0x96: {  	s1 =	ssub.s32 @!p0 $0x0, s1;
	[sflag:s0] =	ssyncset.done @!p0 $0x0  }
0x97: {  	[sflag:s0] =	ssyncadd.s32 @!p0 s1  }
0x98: {  	[bflag:$0x3] =	sbarrier.arrive $0xFFFF  }
0x99: {  	_ =	shalt  }

</sc_bundles>
